<compile_context>
chip_gen: v7x
topology: tpu7x:2x2x1
jax: 0.10.2.dev20260603
libtpu: 0.0.44.dev20260713+nightly
codegen_flags: <defaults>
</compile_context>

<pallas_src>
import jax
import jax.numpy as jnp
from jax import lax
from jax.experimental import pallas as pl
from jax.experimental.pallas import tpu as pltpu
from jax.experimental.pallas import tpu_sc as plsc

_ROWS, _DIM = 100000, 64
_CHUNK = 400
_NCHUNK = _ROWS // _CHUNK
_NW = 32
_G = _NCHUNK // _NW
_R = _NCHUNK % _NW
_NBUF = 2


def _copy_body(x_hbm, o_hbm, *scratch):
    bufs = scratch[:_NBUF]
    sin = scratch[_NBUF:2 * _NBUF]
    sout = scratch[2 * _NBUF:]
    wid = lax.axis_index("c") * 16 + lax.axis_index("s")

    def start_in(g, s):
        base = (wid + g * _NW) * _CHUNK
        pltpu.make_async_copy(x_hbm.at[pl.ds(base, _CHUNK)], bufs[s], sin[s]).start()

    def wait_in(s):
        pltpu.make_async_copy(x_hbm.at[pl.ds(0, _CHUNK)], bufs[s], sin[s]).wait()

    def start_out(g, s):
        base = (wid + g * _NW) * _CHUNK
        pltpu.make_async_copy(bufs[s], o_hbm.at[pl.ds(base, _CHUNK)], sout[s]).start()

    def wait_out(s):
        pltpu.make_async_copy(bufs[s], o_hbm.at[pl.ds(0, _CHUNK)], sout[s]).wait()

    for b in range(_NBUF):
        start_in(b, b)

    for g in range(_G):
        s = g % _NBUF
        wait_in(s)
        start_out(g, s)
        if g + _NBUF < _G:
            wait_out(s)
            start_in(g + _NBUF, s)
        elif g + _NBUF == _G:
            @pl.when(wid < _R)
            def _():
                wait_out(s)
                start_in(_G, s)

    @pl.when(wid < _R)
    def _():
        s = _G % _NBUF
        wait_in(s)
        start_out(_G, s)

    for b in range(_NBUF):
        wait_out(b)


def kernel(code_embeddings):
    k = pl.kernel(
        _copy_body,
        out_type=jax.ShapeDtypeStruct((_ROWS, _DIM), jnp.float32),
        mesh=plsc.VectorSubcoreMesh(core_axis_name="c", subcore_axis_name="s"),
        scratch_types=(
            [pltpu.VMEM((_CHUNK, _DIM), jnp.float32)] * _NBUF
            + [pltpu.SemaphoreType.DMA] * (2 * _NBUF)
        ),
    )
    return k(code_embeddings)

# --- scband reference (transcript-rebuilt; emitter-appended) ---
"""Pipeline reference for scband-medical-embedding-45457933861296 (READ-ONLY COPY).

The authoritative reference and input builder live on the scoring server;
editing this copy changes nothing except your own understanding.
"""

import jax, jax.numpy as jnp
import numpy as np

CODE_NUM = 100000
CODE_DIM = 64

def setup_inputs(seed: int = 0) -> dict:
    key = jax.random.key(seed)
    # GlorotUniform init for the embedding table (code_num, code_dim)
    limit = np.sqrt(6.0 / (CODE_NUM + CODE_DIM))
    code_embeddings = jax.random.uniform(key, (CODE_NUM, CODE_DIM), dtype=jnp.float32, minval=-limit, maxval=limit)
    return {"code_embeddings": code_embeddings}

def reference(code_embeddings) -> jnp.ndarray:
    # MedicalEmbedding.call ignores its input and returns the full embedding table.
    return code_embeddings

if __name__ == "__main__":
    import jax
    _d = setup_inputs()
    print(jax.jit(kernel)(*tuple(_d.values())))

</pallas_src>

<mosaic_0001>
#map = affine_map<(d0, d1) -> (0, 0)>
module attributes {stable_mosaic.version = 14 : i64} {
  func.func @_copy_body(%arg0: i32, %arg1: i32, %arg2: memref<100000x64xf32, #tpu.memory_space<hbm>>, %arg3: memref<100000x64xf32, #tpu.memory_space<hbm>>, %arg4: memref<400x64xf32, #tpu.memory_space<vmem>>, %arg5: memref<400x64xf32, #tpu.memory_space<vmem>>, %arg6: memref<!tpu.dma_semaphore, #tpu.memory_space<semaphore_mem>>, %arg7: memref<!tpu.dma_semaphore, #tpu.memory_space<semaphore_mem>>, %arg8: memref<!tpu.dma_semaphore, #tpu.memory_space<semaphore_mem>>, %arg9: memref<!tpu.dma_semaphore, #tpu.memory_space<semaphore_mem>>) attributes {dimension_semantics = [#tpu.dimension_semantics<core_parallel>, #tpu.dimension_semantics<subcore_parallel>], iteration_bounds = array<i64: 2, 16>, scalar_prefetch = 0 : i64, scratch_operands = 6 : i64, tpu.core_type = #tpu.core_type<sc_vector_subcore>, window_params = [{transform_indices = #map}, {transform_indices = #map}]} {
    %mul3A = arith.constant 16 : i32
    %mul3A_0 = arith.muli %arg0, %mul3A : i32
    %add3A = arith.addi %mul3A_0, %arg1 : i32
    %add3A_1 = arith.constant 0 : i32
    %add3A_2 = arith.addi %add3A, %add3A_1 : i32
    %mul3A_3 = arith.constant 400 : i32
    %mul3A_4 = arith.muli %add3A_2, %mul3A_3 : i32
    %dma_start3A = arith.constant 0 : i32
    %dma_start3A_5 = tpu.memref_slice %arg2[%mul3A_4, %dma_start3A] : memref<100000x64xf32, #tpu.memory_space<hbm>> -> memref<400x64xf32, #tpu.memory_space<hbm>>
    %dma_start3A_6 = arith.constant 0 : i32
    %dma_start3A_7 = tpu.memref_slice %arg2[%mul3A_4, %dma_start3A_6] : memref<100000x64xf32, #tpu.memory_space<hbm>> -> memref<400x64xf32, #tpu.memory_space<hbm>>
    tpu.enqueue_dma source(%dma_start3A_7 : memref<400x64xf32, #tpu.memory_space<hbm>>) target(%arg4 : memref<400x64xf32, #tpu.memory_space<vmem>>) target_semaphore(%arg6 : memref<!tpu.dma_semaphore, #tpu.memory_space<semaphore_mem>>)
    %add3A_8 = arith.constant 32 : i32
    %add3A_9 = arith.addi %add3A, %add3A_8 : i32
    %mul3A_10 = arith.constant 400 : i32
    %mul3A_11 = arith.muli %add3A_9, %mul3A_10 : i32
    %dma_start3A_12 = arith.constant 0 : i32
    %dma_start3A_13 = tpu.memref_slice %arg2[%mul3A_11, %dma_start3A_12] : memref<100000x64xf32, #tpu.memory_space<hbm>> -> memref<400x64xf32, #tpu.memory_space<hbm>>
    %dma_start3A_14 = arith.constant 0 : i32
    %dma_start3A_15 = tpu.memref_slice %arg2[%mul3A_11, %dma_start3A_14] : memref<100000x64xf32, #tpu.memory_space<hbm>> -> memref<400x64xf32, #tpu.memory_space<hbm>>
    tpu.enqueue_dma source(%dma_start3A_15 : memref<400x64xf32, #tpu.memory_space<hbm>>) target(%arg5 : memref<400x64xf32, #tpu.memory_space<vmem>>) target_semaphore(%arg7 : memref<!tpu.dma_semaphore, #tpu.memory_space<semaphore_mem>>)
    %dma_wait3A = arith.constant 0 : i32
    %dma_wait3A_16 = arith.constant 0 : i32
    %dma_wait3A_17 = tpu.memref_slice %arg2[%dma_wait3A, %dma_wait3A_16] : memref<100000x64xf32, #tpu.memory_space<hbm>> -> memref<400x64xf32, #tpu.memory_space<hbm>>
    %dma_wait3A_18 = arith.constant 0 : i32
    %dma_wait3A_19 = arith.constant 0 : i32
    %dma_wait3A_20 = tpu.memref_slice %arg2[%dma_wait3A_18, %dma_wait3A_19] : memref<100000x64xf32, #tpu.memory_space<hbm>> -> memref<400x64xf32, #tpu.memory_space<hbm>>
    tpu.wait_dma2 semaphore(%arg6 : memref<!tpu.dma_semaphore, #tpu.memory_space<semaphore_mem>>) src(%dma_wait3A_20 : memref<400x64xf32, #tpu.memory_space<hbm>>) dst(%arg4 : memref<400x64xf32, #tpu.memory_space<vmem>>)
    %add3A_21 = arith.constant 0 : i32
    %add3A_22 = arith.addi %add3A, %add3A_21 : i32
    %mul3A_23 = arith.constant 400 : i32
    %mul3A_24 = arith.muli %add3A_22, %mul3A_23 : i32
    %dma_start3A_25 = arith.constant 0 : i32
    %dma_start3A_26 = tpu.memref_slice %arg3[%mul3A_24, %dma_start3A_25] : memref<100000x64xf32, #tpu.memory_space<hbm>> -> memref<400x64xf32, #tpu.memory_space<hbm>>
    %dma_start3A_27 = arith.constant 0 : i32
    %dma_start3A_28 = tpu.memref_slice %arg3[%mul3A_24, %dma_start3A_27] : memref<100000x64xf32, #tpu.memory_space<hbm>> -> memref<400x64xf32, #tpu.memory_space<hbm>>
    tpu.enqueue_dma source(%arg4 : memref<400x64xf32, #tpu.memory_space<vmem>>) target(%dma_start3A_28 : memref<400x64xf32, #tpu.memory_space<hbm>>) target_semaphore(%arg8 : memref<!tpu.dma_semaphore, #tpu.memory_space<semaphore_mem>>)
    %dma_wait3A_29 = arith.constant 0 : i32
    %dma_wait3A_30 = arith.constant 0 : i32
    %dma_wait3A_31 = tpu.memref_slice %arg3[%dma_wait3A_29, %dma_wait3A_30] : memref<100000x64xf32, #tpu.memory_space<hbm>> -> memref<400x64xf32, #tpu.memory_space<hbm>>
    %dma_wait3A_32 = arith.constant 0 : i32
    %dma_wait3A_33 = arith.constant 0 : i32
    %dma_wait3A_34 = tpu.memref_slice %arg3[%dma_wait3A_32, %dma_wait3A_33] : memref<100000x64xf32, #tpu.memory_space<hbm>> -> memref<400x64xf32, #tpu.memory_space<hbm>>
    tpu.wait_dma2 semaphore(%arg8 : memref<!tpu.dma_semaphore, #tpu.memory_space<semaphore_mem>>) src(%arg4 : memref<400x64xf32, #tpu.memory_space<vmem>>) dst(%dma_wait3A_34 : memref<400x64xf32, #tpu.memory_space<hbm>>)
    %add3A_35 = arith.constant 64 : i32
    %add3A_36 = arith.addi %add3A, %add3A_35 : i32
    %mul3A_37 = arith.constant 400 : i32
    %mul3A_38 = arith.muli %add3A_36, %mul3A_37 : i32
    %dma_start3A_39 = arith.constant 0 : i32
    %dma_start3A_40 = tpu.memref_slice %arg2[%mul3A_38, %dma_start3A_39] : memref<100000x64xf32, #tpu.memory_space<hbm>> -> memref<400x64xf32, #tpu.memory_space<hbm>>
    %dma_start3A_41 = arith.constant 0 : i32
    %dma_start3A_42 = tpu.memref_slice %arg2[%mul3A_38, %dma_start3A_41] : memref<100000x64xf32, #tpu.memory_space<hbm>> -> memref<400x64xf32, #tpu.memory_space<hbm>>
    tpu.enqueue_dma source(%dma_start3A_42 : memref<400x64xf32, #tpu.memory_space<hbm>>) target(%arg4 : memref<400x64xf32, #tpu.memory_space<vmem>>) target_semaphore(%arg6 : memref<!tpu.dma_semaphore, #tpu.memory_space<semaphore_mem>>)
    %dma_wait3A_43 = arith.constant 0 : i32
    %dma_wait3A_44 = arith.constant 0 : i32
    %dma_wait3A_45 = tpu.memref_slice %arg2[%dma_wait3A_43, %dma_wait3A_44] : memref<100000x64xf32, #tpu.memory_space<hbm>> -> memref<400x64xf32, #tpu.memory_space<hbm>>
    %dma_wait3A_46 = arith.constant 0 : i32
    %dma_wait3A_47 = arith.constant 0 : i32
    %dma_wait3A_48 = tpu.memref_slice %arg2[%dma_wait3A_46, %dma_wait3A_47] : memref<100000x64xf32, #tpu.memory_space<hbm>> -> memref<400x64xf32, #tpu.memory_space<hbm>>
    tpu.wait_dma2 semaphore(%arg7 : memref<!tpu.dma_semaphore, #tpu.memory_space<semaphore_mem>>) src(%dma_wait3A_48 : memref<400x64xf32, #tpu.memory_space<hbm>>) dst(%arg5 : memref<400x64xf32, #tpu.memory_space<vmem>>)
    %add3A_49 = arith.constant 32 : i32
    %add3A_50 = arith.addi %add3A, %add3A_49 : i32
    %mul3A_51 = arith.constant 400 : i32
    %mul3A_52 = arith.muli %add3A_50, %mul3A_51 : i32
    %dma_start3A_53 = arith.constant 0 : i32
    %dma_start3A_54 = tpu.memref_slice %arg3[%mul3A_52, %dma_start3A_53] : memref<100000x64xf32, #tpu.memory_space<hbm>> -> memref<400x64xf32, #tpu.memory_space<hbm>>
    %dma_start3A_55 = arith.constant 0 : i32
    %dma_start3A_56 = tpu.memref_slice %arg3[%mul3A_52, %dma_start3A_55] : memref<100000x64xf32, #tpu.memory_space<hbm>> -> memref<400x64xf32, #tpu.memory_space<hbm>>
    tpu.enqueue_dma source(%arg5 : memref<400x64xf32, #tpu.memory_space<vmem>>) target(%dma_start3A_56 : memref<400x64xf32, #tpu.memory_space<hbm>>) target_semaphore(%arg9 : memref<!tpu.dma_semaphore, #tpu.memory_space<semaphore_mem>>)
    %dma_wait3A_57 = arith.constant 0 : i32
    %dma_wait3A_58 = arith.constant 0 : i32
    %dma_wait3A_59 = tpu.memref_slice %arg3[%dma_wait3A_57, %dma_wait3A_58] : memref<100000x64xf32, #tpu.memory_space<hbm>> -> memref<400x64xf32, #tpu.memory_space<hbm>>
    %dma_wait3A_60 = arith.constant 0 : i32
    %dma_wait3A_61 = arith.constant 0 : i32
    %dma_wait3A_62 = tpu.memref_slice %arg3[%dma_wait3A_60, %dma_wait3A_61] : memref<100000x64xf32, #tpu.memory_space<hbm>> -> memref<400x64xf32, #tpu.memory_space<hbm>>
    tpu.wait_dma2 semaphore(%arg9 : memref<!tpu.dma_semaphore, #tpu.memory_space<semaphore_mem>>) src(%arg5 : memref<400x64xf32, #tpu.memory_space<vmem>>) dst(%dma_wait3A_62 : memref<400x64xf32, #tpu.memory_space<hbm>>)
    %add3A_63 = arith.constant 96 : i32
    %add3A_64 = arith.addi %add3A, %add3A_63 : i32
    %mul3A_65 = arith.constant 400 : i32
    %mul3A_66 = arith.muli %add3A_64, %mul3A_65 : i32
    %dma_start3A_67 = arith.constant 0 : i32
    %dma_start3A_68 = tpu.memref_slice %arg2[%mul3A_66, %dma_start3A_67] : memref<100000x64xf32, #tpu.memory_space<hbm>> -> memref<400x64xf32, #tpu.memory_space<hbm>>
    %dma_start3A_69 = arith.constant 0 : i32
    %dma_start3A_70 = tpu.memref_slice %arg2[%mul3A_66, %dma_start3A_69] : memref<100000x64xf32, #tpu.memory_space<hbm>> -> memref<400x64xf32, #tpu.memory_space<hbm>>
    tpu.enqueue_dma source(%dma_start3A_70 : memref<400x64xf32, #tpu.memory_space<hbm>>) target(%arg5 : memref<400x64xf32, #tpu.memory_space<vmem>>) target_semaphore(%arg7 : memref<!tpu.dma_semaphore, #tpu.memory_space<semaphore_mem>>)
    %dma_wait3A_71 = arith.constant 0 : i32
    %dma_wait3A_72 = arith.constant 0 : i32
    %dma_wait3A_73 = tpu.memref_slice %arg2[%dma_wait3A_71, %dma_wait3A_72] : memref<100000x64xf32, #tpu.memory_space<hbm>> -> memref<400x64xf32, #tpu.memory_space<hbm>>
    %dma_wait3A_74 = arith.constant 0 : i32
    %dma_wait3A_75 = arith.constant 0 : i32
    %dma_wait3A_76 = tpu.memref_slice %arg2[%dma_wait3A_74, %dma_wait3A_75] : memref<100000x64xf32, #tpu.memory_space<hbm>> -> memref<400x64xf32, #tpu.memory_space<hbm>>
    tpu.wait_dma2 semaphore(%arg6 : memref<!tpu.dma_semaphore, #tpu.memory_space<semaphore_mem>>) src(%dma_wait3A_76 : memref<400x64xf32, #tpu.memory_space<hbm>>) dst(%arg4 : memref<400x64xf32, #tpu.memory_space<vmem>>)
    %add3A_77 = arith.constant 64 : i32
    %add3A_78 = arith.addi %add3A, %add3A_77 : i32
    %mul3A_79 = arith.constant 400 : i32
    %mul3A_80 = arith.muli %add3A_78, %mul3A_79 : i32
    %dma_start3A_81 = arith.constant 0 : i32
    %dma_start3A_82 = tpu.memref_slice %arg3[%mul3A_80, %dma_start3A_81] : memref<100000x64xf32, #tpu.memory_space<hbm>> -> memref<400x64xf32, #tpu.memory_space<hbm>>
    %dma_start3A_83 = arith.constant 0 : i32
    %dma_start3A_84 = tpu.memref_slice %arg3[%mul3A_80, %dma_start3A_83] : memref<100000x64xf32, #tpu.memory_space<hbm>> -> memref<400x64xf32, #tpu.memory_space<hbm>>
    tpu.enqueue_dma source(%arg4 : memref<400x64xf32, #tpu.memory_space<vmem>>) target(%dma_start3A_84 : memref<400x64xf32, #tpu.memory_space<hbm>>) target_semaphore(%arg8 : memref<!tpu.dma_semaphore, #tpu.memory_space<semaphore_mem>>)
    %dma_wait3A_85 = arith.constant 0 : i32
    %dma_wait3A_86 = arith.constant 0 : i32
    %dma_wait3A_87 = tpu.memref_slice %arg3[%dma_wait3A_85, %dma_wait3A_86] : memref<100000x64xf32, #tpu.memory_space<hbm>> -> memref<400x64xf32, #tpu.memory_space<hbm>>
    %dma_wait3A_88 = arith.constant 0 : i32
    %dma_wait3A_89 = arith.constant 0 : i32
    %dma_wait3A_90 = tpu.memref_slice %arg3[%dma_wait3A_88, %dma_wait3A_89] : memref<100000x64xf32, #tpu.memory_space<hbm>> -> memref<400x64xf32, #tpu.memory_space<hbm>>
    tpu.wait_dma2 semaphore(%arg8 : memref<!tpu.dma_semaphore, #tpu.memory_space<semaphore_mem>>) src(%arg4 : memref<400x64xf32, #tpu.memory_space<vmem>>) dst(%dma_wait3A_90 : memref<400x64xf32, #tpu.memory_space<hbm>>)
    %add3A_91 = arith.constant 128 : i32
    %add3A_92 = arith.addi %add3A, %add3A_91 : i32
    %mul3A_93 = arith.constant 400 : i32
    %mul3A_94 = arith.muli %add3A_92, %mul3A_93 : i32
    %dma_start3A_95 = arith.constant 0 : i32
    %dma_start3A_96 = tpu.memref_slice %arg2[%mul3A_94, %dma_start3A_95] : memref<100000x64xf32, #tpu.memory_space<hbm>> -> memref<400x64xf32, #tpu.memory_space<hbm>>
    %dma_start3A_97 = arith.constant 0 : i32
    %dma_start3A_98 = tpu.memref_slice %arg2[%mul3A_94, %dma_start3A_97] : memref<100000x64xf32, #tpu.memory_space<hbm>> -> memref<400x64xf32, #tpu.memory_space<hbm>>
    tpu.enqueue_dma source(%dma_start3A_98 : memref<400x64xf32, #tpu.memory_space<hbm>>) target(%arg4 : memref<400x64xf32, #tpu.memory_space<vmem>>) target_semaphore(%arg6 : memref<!tpu.dma_semaphore, #tpu.memory_space<semaphore_mem>>)
    %dma_wait3A_99 = arith.constant 0 : i32
    %dma_wait3A_100 = arith.constant 0 : i32
    %dma_wait3A_101 = tpu.memref_slice %arg2[%dma_wait3A_99, %dma_wait3A_100] : memref<100000x64xf32, #tpu.memory_space<hbm>> -> memref<400x64xf32, #tpu.memory_space<hbm>>
    %dma_wait3A_102 = arith.constant 0 : i32
    %dma_wait3A_103 = arith.constant 0 : i32
    %dma_wait3A_104 = tpu.memref_slice %arg2[%dma_wait3A_102, %dma_wait3A_103] : memref<100000x64xf32, #tpu.memory_space<hbm>> -> memref<400x64xf32, #tpu.memory_space<hbm>>
    tpu.wait_dma2 semaphore(%arg7 : memref<!tpu.dma_semaphore, #tpu.memory_space<semaphore_mem>>) src(%dma_wait3A_104 : memref<400x64xf32, #tpu.memory_space<hbm>>) dst(%arg5 : memref<400x64xf32, #tpu.memory_space<vmem>>)
    %add3A_105 = arith.constant 96 : i32
    %add3A_106 = arith.addi %add3A, %add3A_105 : i32
    %mul3A_107 = arith.constant 400 : i32
    %mul3A_108 = arith.muli %add3A_106, %mul3A_107 : i32
    %dma_start3A_109 = arith.constant 0 : i32
    %dma_start3A_110 = tpu.memref_slice %arg3[%mul3A_108, %dma_start3A_109] : memref<100000x64xf32, #tpu.memory_space<hbm>> -> memref<400x64xf32, #tpu.memory_space<hbm>>
    %dma_start3A_111 = arith.constant 0 : i32
    %dma_start3A_112 = tpu.memref_slice %arg3[%mul3A_108, %dma_start3A_111] : memref<100000x64xf32, #tpu.memory_space<hbm>> -> memref<400x64xf32, #tpu.memory_space<hbm>>
    tpu.enqueue_dma source(%arg5 : memref<400x64xf32, #tpu.memory_space<vmem>>) target(%dma_start3A_112 : memref<400x64xf32, #tpu.memory_space<hbm>>) target_semaphore(%arg9 : memref<!tpu.dma_semaphore, #tpu.memory_space<semaphore_mem>>)
    %dma_wait3A_113 = arith.constant 0 : i32
    %dma_wait3A_114 = arith.constant 0 : i32
    %dma_wait3A_115 = tpu.memref_slice %arg3[%dma_wait3A_113, %dma_wait3A_114] : memref<100000x64xf32, #tpu.memory_space<hbm>> -> memref<400x64xf32, #tpu.memory_space<hbm>>
    %dma_wait3A_116 = arith.constant 0 : i32
    %dma_wait3A_117 = arith.constant 0 : i32
    %dma_wait3A_118 = tpu.memref_slice %arg3[%dma_wait3A_116, %dma_wait3A_117] : memref<100000x64xf32, #tpu.memory_space<hbm>> -> memref<400x64xf32, #tpu.memory_space<hbm>>
    tpu.wait_dma2 semaphore(%arg9 : memref<!tpu.dma_semaphore, #tpu.memory_space<semaphore_mem>>) src(%arg5 : memref<400x64xf32, #tpu.memory_space<vmem>>) dst(%dma_wait3A_118 : memref<400x64xf32, #tpu.memory_space<hbm>>)
    %add3A_119 = arith.constant 160 : i32
    %add3A_120 = arith.addi %add3A, %add3A_119 : i32
    %mul3A_121 = arith.constant 400 : i32
    %mul3A_122 = arith.muli %add3A_120, %mul3A_121 : i32
    %dma_start3A_123 = arith.constant 0 : i32
    %dma_start3A_124 = tpu.memref_slice %arg2[%mul3A_122, %dma_start3A_123] : memref<100000x64xf32, #tpu.memory_space<hbm>> -> memref<400x64xf32, #tpu.memory_space<hbm>>
    %dma_start3A_125 = arith.constant 0 : i32
    %dma_start3A_126 = tpu.memref_slice %arg2[%mul3A_122, %dma_start3A_125] : memref<100000x64xf32, #tpu.memory_space<hbm>> -> memref<400x64xf32, #tpu.memory_space<hbm>>
    tpu.enqueue_dma source(%dma_start3A_126 : memref<400x64xf32, #tpu.memory_space<hbm>>) target(%arg5 : memref<400x64xf32, #tpu.memory_space<vmem>>) target_semaphore(%arg7 : memref<!tpu.dma_semaphore, #tpu.memory_space<semaphore_mem>>)
    %dma_wait3A_127 = arith.constant 0 : i32
    %dma_wait3A_128 = arith.constant 0 : i32
    %dma_wait3A_129 = tpu.memref_slice %arg2[%dma_wait3A_127, %dma_wait3A_128] : memref<100000x64xf32, #tpu.memory_space<hbm>> -> memref<400x64xf32, #tpu.memory_space<hbm>>
    %dma_wait3A_130 = arith.constant 0 : i32
    %dma_wait3A_131 = arith.constant 0 : i32
    %dma_wait3A_132 = tpu.memref_slice %arg2[%dma_wait3A_130, %dma_wait3A_131] : memref<100000x64xf32, #tpu.memory_space<hbm>> -> memref<400x64xf32, #tpu.memory_space<hbm>>
    tpu.wait_dma2 semaphore(%arg6 : memref<!tpu.dma_semaphore, #tpu.memory_space<semaphore_mem>>) src(%dma_wait3A_132 : memref<400x64xf32, #tpu.memory_space<hbm>>) dst(%arg4 : memref<400x64xf32, #tpu.memory_space<vmem>>)
    %add3A_133 = arith.constant 128 : i32
    %add3A_134 = arith.addi %add3A, %add3A_133 : i32
    %mul3A_135 = arith.constant 400 : i32
    %mul3A_136 = arith.muli %add3A_134, %mul3A_135 : i32
    %dma_start3A_137 = arith.constant 0 : i32
    %dma_start3A_138 = tpu.memref_slice %arg3[%mul3A_136, %dma_start3A_137] : memref<100000x64xf32, #tpu.memory_space<hbm>> -> memref<400x64xf32, #tpu.memory_space<hbm>>
    %dma_start3A_139 = arith.constant 0 : i32
    %dma_start3A_140 = tpu.memref_slice %arg3[%mul3A_136, %dma_start3A_139] : memref<100000x64xf32, #tpu.memory_space<hbm>> -> memref<400x64xf32, #tpu.memory_space<hbm>>
    tpu.enqueue_dma source(%arg4 : memref<400x64xf32, #tpu.memory_space<vmem>>) target(%dma_start3A_140 : memref<400x64xf32, #tpu.memory_space<hbm>>) target_semaphore(%arg8 : memref<!tpu.dma_semaphore, #tpu.memory_space<semaphore_mem>>)
    %dma_wait3A_141 = arith.constant 0 : i32
    %dma_wait3A_142 = arith.constant 0 : i32
    %dma_wait3A_143 = tpu.memref_slice %arg3[%dma_wait3A_141, %dma_wait3A_142] : memref<100000x64xf32, #tpu.memory_space<hbm>> -> memref<400x64xf32, #tpu.memory_space<hbm>>
    %dma_wait3A_144 = arith.constant 0 : i32
    %dma_wait3A_145 = arith.constant 0 : i32
    %dma_wait3A_146 = tpu.memref_slice %arg3[%dma_wait3A_144, %dma_wait3A_145] : memref<100000x64xf32, #tpu.memory_space<hbm>> -> memref<400x64xf32, #tpu.memory_space<hbm>>
    tpu.wait_dma2 semaphore(%arg8 : memref<!tpu.dma_semaphore, #tpu.memory_space<semaphore_mem>>) src(%arg4 : memref<400x64xf32, #tpu.memory_space<vmem>>) dst(%dma_wait3A_146 : memref<400x64xf32, #tpu.memory_space<hbm>>)
    %add3A_147 = arith.constant 192 : i32
    %add3A_148 = arith.addi %add3A, %add3A_147 : i32
    %mul3A_149 = arith.constant 400 : i32
    %mul3A_150 = arith.muli %add3A_148, %mul3A_149 : i32
    %dma_start3A_151 = arith.constant 0 : i32
    %dma_start3A_152 = tpu.memref_slice %arg2[%mul3A_150, %dma_start3A_151] : memref<100000x64xf32, #tpu.memory_space<hbm>> -> memref<400x64xf32, #tpu.memory_space<hbm>>
    %dma_start3A_153 = arith.constant 0 : i32
    %dma_start3A_154 = tpu.memref_slice %arg2[%mul3A_150, %dma_start3A_153] : memref<100000x64xf32, #tpu.memory_space<hbm>> -> memref<400x64xf32, #tpu.memory_space<hbm>>
    tpu.enqueue_dma source(%dma_start3A_154 : memref<400x64xf32, #tpu.memory_space<hbm>>) target(%arg4 : memref<400x64xf32, #tpu.memory_space<vmem>>) target_semaphore(%arg6 : memref<!tpu.dma_semaphore, #tpu.memory_space<semaphore_mem>>)
    %dma_wait3A_155 = arith.constant 0 : i32
    %dma_wait3A_156 = arith.constant 0 : i32
    %dma_wait3A_157 = tpu.memref_slice %arg2[%dma_wait3A_155, %dma_wait3A_156] : memref<100000x64xf32, #tpu.memory_space<hbm>> -> memref<400x64xf32, #tpu.memory_space<hbm>>
    %dma_wait3A_158 = arith.constant 0 : i32
    %dma_wait3A_159 = arith.constant 0 : i32
    %dma_wait3A_160 = tpu.memref_slice %arg2[%dma_wait3A_158, %dma_wait3A_159] : memref<100000x64xf32, #tpu.memory_space<hbm>> -> memref<400x64xf32, #tpu.memory_space<hbm>>
    tpu.wait_dma2 semaphore(%arg7 : memref<!tpu.dma_semaphore, #tpu.memory_space<semaphore_mem>>) src(%dma_wait3A_160 : memref<400x64xf32, #tpu.memory_space<hbm>>) dst(%arg5 : memref<400x64xf32, #tpu.memory_space<vmem>>)
    %add3A_161 = arith.constant 160 : i32
    %add3A_162 = arith.addi %add3A, %add3A_161 : i32
    %mul3A_163 = arith.constant 400 : i32
    %mul3A_164 = arith.muli %add3A_162, %mul3A_163 : i32
    %dma_start3A_165 = arith.constant 0 : i32
    %dma_start3A_166 = tpu.memref_slice %arg3[%mul3A_164, %dma_start3A_165] : memref<100000x64xf32, #tpu.memory_space<hbm>> -> memref<400x64xf32, #tpu.memory_space<hbm>>
    %dma_start3A_167 = arith.constant 0 : i32
    %dma_start3A_168 = tpu.memref_slice %arg3[%mul3A_164, %dma_start3A_167] : memref<100000x64xf32, #tpu.memory_space<hbm>> -> memref<400x64xf32, #tpu.memory_space<hbm>>
    tpu.enqueue_dma source(%arg5 : memref<400x64xf32, #tpu.memory_space<vmem>>) target(%dma_start3A_168 : memref<400x64xf32, #tpu.memory_space<hbm>>) target_semaphore(%arg9 : memref<!tpu.dma_semaphore, #tpu.memory_space<semaphore_mem>>)
    %lt3A = arith.constant 26 : i32
    %lt3A_169 = arith.cmpi slt, %add3A, %lt3A : i32
    %convert_element_type3A = arith.extui %lt3A_169 : i1 to i32
    %cond3A = arith.constant 0 : i32
    %cond3A_170 = arith.cmpi ne, %convert_element_type3A, %cond3A : i32
    scf.if %cond3A_170 {
      %dma_wait3A_202 = arith.constant 0 : i32
      %dma_wait3A_203 = arith.constant 0 : i32
      %dma_wait3A_204 = tpu.memref_slice %arg3[%dma_wait3A_202, %dma_wait3A_203] : memref<100000x64xf32, #tpu.memory_space<hbm>> -> memref<400x64xf32, #tpu.memory_space<hbm>>
      %dma_wait3A_205 = arith.constant 0 : i32
      %dma_wait3A_206 = arith.constant 0 : i32
      %dma_wait3A_207 = tpu.memref_slice %arg3[%dma_wait3A_205, %dma_wait3A_206] : memref<100000x64xf32, #tpu.memory_space<hbm>> -> memref<400x64xf32, #tpu.memory_space<hbm>>
      tpu.wait_dma2 semaphore(%arg9 : memref<!tpu.dma_semaphore, #tpu.memory_space<semaphore_mem>>) src(%arg5 : memref<400x64xf32, #tpu.memory_space<vmem>>) dst(%dma_wait3A_207 : memref<400x64xf32, #tpu.memory_space<hbm>>)
      %add3A_208 = arith.constant 224 : i32
      %add3A_209 = arith.addi %add3A, %add3A_208 : i32
      %mul3A_210 = arith.constant 400 : i32
      %mul3A_211 = arith.muli %add3A_209, %mul3A_210 : i32
      %dma_start3A_212 = arith.constant 0 : i32
      %dma_start3A_213 = tpu.memref_slice %arg2[%mul3A_211, %dma_start3A_212] : memref<100000x64xf32, #tpu.memory_space<hbm>> -> memref<400x64xf32, #tpu.memory_space<hbm>>
      %dma_start3A_214 = arith.constant 0 : i32
      %dma_start3A_215 = tpu.memref_slice %arg2[%mul3A_211, %dma_start3A_214] : memref<100000x64xf32, #tpu.memory_space<hbm>> -> memref<400x64xf32, #tpu.memory_space<hbm>>
      tpu.enqueue_dma source(%dma_start3A_215 : memref<400x64xf32, #tpu.memory_space<hbm>>) target(%arg5 : memref<400x64xf32, #tpu.memory_space<vmem>>) target_semaphore(%arg7 : memref<!tpu.dma_semaphore, #tpu.memory_space<semaphore_mem>>)
    } else {
    }
    %dma_wait3A_171 = arith.constant 0 : i32
    %dma_wait3A_172 = arith.constant 0 : i32
    %dma_wait3A_173 = tpu.memref_slice %arg2[%dma_wait3A_171, %dma_wait3A_172] : memref<100000x64xf32, #tpu.memory_space<hbm>> -> memref<400x64xf32, #tpu.memory_space<hbm>>
    %dma_wait3A_174 = arith.constant 0 : i32
    %dma_wait3A_175 = arith.constant 0 : i32
    %dma_wait3A_176 = tpu.memref_slice %arg2[%dma_wait3A_174, %dma_wait3A_175] : memref<100000x64xf32, #tpu.memory_space<hbm>> -> memref<400x64xf32, #tpu.memory_space<hbm>>
    tpu.wait_dma2 semaphore(%arg6 : memref<!tpu.dma_semaphore, #tpu.memory_space<semaphore_mem>>) src(%dma_wait3A_176 : memref<400x64xf32, #tpu.memory_space<hbm>>) dst(%arg4 : memref<400x64xf32, #tpu.memory_space<vmem>>)
    %add3A_177 = arith.constant 192 : i32
    %add3A_178 = arith.addi %add3A, %add3A_177 : i32
    %mul3A_179 = arith.constant 400 : i32
    %mul3A_180 = arith.muli %add3A_178, %mul3A_179 : i32
    %dma_start3A_181 = arith.constant 0 : i32
    %dma_start3A_182 = tpu.memref_slice %arg3[%mul3A_180, %dma_start3A_181] : memref<100000x64xf32, #tpu.memory_space<hbm>> -> memref<400x64xf32, #tpu.memory_space<hbm>>
    %dma_start3A_183 = arith.constant 0 : i32
    %dma_start3A_184 = tpu.memref_slice %arg3[%mul3A_180, %dma_start3A_183] : memref<100000x64xf32, #tpu.memory_space<hbm>> -> memref<400x64xf32, #tpu.memory_space<hbm>>
    tpu.enqueue_dma source(%arg4 : memref<400x64xf32, #tpu.memory_space<vmem>>) target(%dma_start3A_184 : memref<400x64xf32, #tpu.memory_space<hbm>>) target_semaphore(%arg8 : memref<!tpu.dma_semaphore, #tpu.memory_space<semaphore_mem>>)
    %lt3A_185 = arith.constant 26 : i32
    %lt3A_186 = arith.cmpi slt, %add3A, %lt3A_185 : i32
    %convert_element_type3A_187 = arith.extui %lt3A_186 : i1 to i32
    %cond3A_188 = arith.constant 0 : i32
    %cond3A_189 = arith.cmpi ne, %convert_element_type3A_187, %cond3A_188 : i32
    scf.if %cond3A_189 {
      %dma_wait3A_202 = arith.constant 0 : i32
      %dma_wait3A_203 = arith.constant 0 : i32
      %dma_wait3A_204 = tpu.memref_slice %arg2[%dma_wait3A_202, %dma_wait3A_203] : memref<100000x64xf32, #tpu.memory_space<hbm>> -> memref<400x64xf32, #tpu.memory_space<hbm>>
      %dma_wait3A_205 = arith.constant 0 : i32
      %dma_wait3A_206 = arith.constant 0 : i32
      %dma_wait3A_207 = tpu.memref_slice %arg2[%dma_wait3A_205, %dma_wait3A_206] : memref<100000x64xf32, #tpu.memory_space<hbm>> -> memref<400x64xf32, #tpu.memory_space<hbm>>
      tpu.wait_dma2 semaphore(%arg7 : memref<!tpu.dma_semaphore, #tpu.memory_space<semaphore_mem>>) src(%dma_wait3A_207 : memref<400x64xf32, #tpu.memory_space<hbm>>) dst(%arg5 : memref<400x64xf32, #tpu.memory_space<vmem>>)
      %add3A_208 = arith.constant 224 : i32
      %add3A_209 = arith.addi %add3A, %add3A_208 : i32
      %mul3A_210 = arith.constant 400 : i32
      %mul3A_211 = arith.muli %add3A_209, %mul3A_210 : i32
      %dma_start3A_212 = arith.constant 0 : i32
      %dma_start3A_213 = tpu.memref_slice %arg3[%mul3A_211, %dma_start3A_212] : memref<100000x64xf32, #tpu.memory_space<hbm>> -> memref<400x64xf32, #tpu.memory_space<hbm>>
      %dma_start3A_214 = arith.constant 0 : i32
      %dma_start3A_215 = tpu.memref_slice %arg3[%mul3A_211, %dma_start3A_214] : memref<100000x64xf32, #tpu.memory_space<hbm>> -> memref<400x64xf32, #tpu.memory_space<hbm>>
      tpu.enqueue_dma source(%arg5 : memref<400x64xf32, #tpu.memory_space<vmem>>) target(%dma_start3A_215 : memref<400x64xf32, #tpu.memory_space<hbm>>) target_semaphore(%arg9 : memref<!tpu.dma_semaphore, #tpu.memory_space<semaphore_mem>>)
    } else {
    }
    %dma_wait3A_190 = arith.constant 0 : i32
    %dma_wait3A_191 = arith.constant 0 : i32
    %dma_wait3A_192 = tpu.memref_slice %arg3[%dma_wait3A_190, %dma_wait3A_191] : memref<100000x64xf32, #tpu.memory_space<hbm>> -> memref<400x64xf32, #tpu.memory_space<hbm>>
    %dma_wait3A_193 = arith.constant 0 : i32
    %dma_wait3A_194 = arith.constant 0 : i32
    %dma_wait3A_195 = tpu.memref_slice %arg3[%dma_wait3A_193, %dma_wait3A_194] : memref<100000x64xf32, #tpu.memory_space<hbm>> -> memref<400x64xf32, #tpu.memory_space<hbm>>
    tpu.wait_dma2 semaphore(%arg8 : memref<!tpu.dma_semaphore, #tpu.memory_space<semaphore_mem>>) src(%arg4 : memref<400x64xf32, #tpu.memory_space<vmem>>) dst(%dma_wait3A_195 : memref<400x64xf32, #tpu.memory_space<hbm>>)
    %dma_wait3A_196 = arith.constant 0 : i32
    %dma_wait3A_197 = arith.constant 0 : i32
    %dma_wait3A_198 = tpu.memref_slice %arg3[%dma_wait3A_196, %dma_wait3A_197] : memref<100000x64xf32, #tpu.memory_space<hbm>> -> memref<400x64xf32, #tpu.memory_space<hbm>>
    %dma_wait3A_199 = arith.constant 0 : i32
    %dma_wait3A_200 = arith.constant 0 : i32
    %dma_wait3A_201 = tpu.memref_slice %arg3[%dma_wait3A_199, %dma_wait3A_200] : memref<100000x64xf32, #tpu.memory_space<hbm>> -> memref<400x64xf32, #tpu.memory_space<hbm>>
    tpu.wait_dma2 semaphore(%arg9 : memref<!tpu.dma_semaphore, #tpu.memory_space<semaphore_mem>>) src(%arg5 : memref<400x64xf32, #tpu.memory_space<vmem>>) dst(%dma_wait3A_201 : memref<400x64xf32, #tpu.memory_space<hbm>>)
    return
  }
}

</mosaic_0001>

<sc_bundles>
// kernel: kernel.3.cloned.1.call-start
scs
__scs_entry_jumppad:
0x0: {  	(pc) =	sbr.rel $0x88, $3  }
0x1: {  	(tag) =	ssettag $0x0;
	lr =	simm.s32 $0x1  }
0x2: {  	[smem:$0x3FA0] =	sst lr;
	_ =	strace $0xD0000000  }
0x3: {  	_ = 	snop  }
0x4: {  	_ = 	snop  }
0x5: {  	_ = 	snop  }
0x6: {  	_ = 	snop  }
0x7: {  	_ = 	snop  }
__scs_overlays_trampoline_lowered:
0x8: {  	[smem:$0x3FAF] =	sst s0  }
0x9: {  	[smem:$0x3FB0] =	sst s1  }
0xa: {  	[smem:$0x3FB1] =	sst s2  }
0xb: {  	[smem:$0x3FB2] =	sst s3  }
0xc: {  	[smem:$0x3FB3] =	sst s4  }
0xd: {  	[smem:$0x3FB4] =	sst s5  }
0xe: {  	[smem:$0x3FB5] =	sst s6  }
0xf: {  	[smem:$0x3FB6] =	sst s7  }
0x10: {  	[smem:$0x3FB7] =	sst s8  }
0x11: {  	[smem:$0x3FB8] =	sst s9;
	s0 =	simm.s32 @!p0 $0x0  }
0x12: {  	s1 =	sld [smem:$0x3F9E];
	s0 =	simm.s32 @p0 $0x1  }
0x13: {  	[smem:$0x3FB9] =	sst s0;
	s0 =	simm.s32 @!p1 $0x0  }
0x14: {  	s2 =	sld [smem:$0x3F9D];
	s0 =	simm.s32 @p1 $0x1  }
0x15: {  	[smem:$0x3FBA] =	sst s0;
	s0 =	simm.s32 @!p2 $0x0  }
0x16: {  	s3 =	sld [smem:$0x3FDB];
	s0 =	simm.s32 @p2 $0x1  }
0x17: {  	s4 =	simm.s32 $0x1BF5;
	[smem:$0x3FBC] =	sst s0  }
0x18: {  	s0 =	sld [smem:$0x3F9F];
	_ =	swait.ge [sflag:s4], $0x0  }
0x19: {  	s7 =	sld [smem:$0x3FA0]  }
0x1a: {  	s8 =	sadd.s32 $0xFFFFE003, lr  }
0x1b: {  	s9 =	sadd.s32 $0xFFFFFEF7, lr;
	s5 =	simm.s32 $0xFFFFFFFF;
	p2 =	slt.u32 s8, $0xFFFFF086  }
0x1c: {  	p1 =	slt.u32 s9, $0xF7A;
	s5 =	simm.s32 @!p2 $0x0  }
0x1d: {  	s5 =	simm.s32 @p1 $0x1;
	p0 =	seq.s32 s7, s2  }
0x1e: {  	s7 =	smul.u32 @!p0 $0xF7A, s2;
	p2 =	seq.s32 @!p0 s5, $0x0  }
0x1f: {  	s9 =	smul.u32 $0xF7A, s1;
	s8 =	simm.s32 @!p0 $0x1BF5;
	p2 =	por !p2, p0  }
0x20: {  	[sflag:s8] =	ssyncset.s32 @!p0 $0xFFFFF086;
	s6 =	sadd.s32 @!p0 s3, s7;
	s7 =	simm.s32 @!p0 $0x108  }
0x21: {  	s3 =	sadd.s32 s3, s9;
	s6 =	sadd.s32 @!p0 $0x88, s6;
	s7 =	simm.s32 @p2 $0x1082  }
0x22: {  	[simem:s7], [sflag:s8] =	dma.local @!p0 [hbm:s6], $0xF7A  }
0x23: {  	s9 =	sor.u32 $0xD0000000, s2;
	s6 =	simm.s32 $0x108;
	_ =	swait.ge @!p0 [sflag:s8], $0x0  }
0x24: {  	s3 =	sadd.s32 $0x88, s3;
	s6 =	simm.s32 @!p1 $0x1082;
	[sflag:s4] =	ssyncset.s32 $0xFFFFF086  }
0x25: {  	[simem:s6], [sflag:s4] =	dma.local [hbm:s3], $0xF7A  }
0x26: {  	[smem:$0x3FA0] =	sst s1;
	(tag) =	ssettag s2;
	_ =	strace s9  }
0x27: {  	s1 =	sld [smem:$0x3FB0]  }
0x28: {  	s2 =	sld [smem:$0x3FB1]  }
0x29: {  	s4 =	sld [smem:$0x3FB3]  }
0x2a: {  	p0 =	seq.s32 s5, $0x0;
	s5 =	sld [smem:$0x3FB4]  }
0x2b: {  	s6 =	sld [smem:$0x3FB5]  }
0x2c: {  	s7 =	sld [smem:$0x3FB6]  }
0x2d: {  	s3 =	simm.s32 $0x108;
	s8 =	sld [smem:$0x3FB7]  }
0x2e: {  	s3 =	simm.s32 @!p0 $0x1082;
	s9 =	sld [smem:$0x3FB8]  }
0x2f: {  	lr =	sadd.s32 s0, s3;
	s0 =	sld [smem:$0x3FAF]  }
0x30: {  	s3 =	sld [smem:$0x3FB2]  }
0x31: {  	[smem:$0x3FBB] =	sst s10  }
0x32: {  	s10 =	sld [smem:$0x3FB9];
	_ =	sdelay $0x3  }
0x33: {  	p0 =	seq.s32 s10, $0x1;
	s10 =	sld [smem:$0x3FBB];
	_ =	sdelay $0x3  }
0x34: {  	[smem:$0x3FBB] =	sst s10  }
0x35: {  	s10 =	sld [smem:$0x3FBA];
	_ =	sdelay $0x3  }
0x36: {  	p1 =	seq.s32 s10, $0x1;
	s10 =	sld [smem:$0x3FBB];
	_ =	sdelay $0x3  }
0x37: {  	[smem:$0x3FBB] =	sst s10  }
0x38: {  	s10 =	sld [smem:$0x3FBC]  }
0x39: {  	_ = 	snop;
	(pc) =	sbr.ind lr, $3  }
0x3a: {  	_ = 	snop  }
0x3b: {  	_ = 	snop  }
0x3c: {  	p2 =	seq.s32 s10, $0x1;
	s10 =	sld [smem:$0x3FBB]  }
0x3d: {  	_ =	shalt  }
0x3e: {  	_ =	shalt  }
0x3f: {  	_ =	shalt  }
0x40: {  	_ =	shalt  }
0x41: {  	_ =	shalt  }
0x42: {  	_ =	shalt  }
0x43: {  	_ =	shalt  }
0x44: {  	_ =	shalt  }
0x45: {  	_ =	shalt  }
0x46: {  	_ =	shalt  }
0x47: {  	_ =	shalt  }
0x48: {  	_ =	shalt  }
0x49: {  	_ =	shalt  }
0x4a: {  	_ =	shalt  }
0x4b: {  	_ =	shalt  }
0x4c: {  	_ =	shalt  }
0x4d: {  	_ =	shalt  }
0x4e: {  	_ =	shalt  }
0x4f: {  	_ =	shalt  }
0x50: {  	_ =	shalt  }
0x51: {  	_ =	shalt  }
0x52: {  	_ =	shalt  }
0x53: {  	_ =	shalt  }
0x54: {  	_ =	shalt  }
0x55: {  	_ =	shalt  }
0x56: {  	_ =	shalt  }
0x57: {  	_ =	shalt  }
0x58: {  	_ =	shalt  }
0x59: {  	_ =	shalt  }
0x5a: {  	_ =	shalt  }
0x5b: {  	_ =	shalt  }
0x5c: {  	_ =	shalt  }
0x5d: {  	_ =	shalt  }
0x5e: {  	_ =	shalt  }
0x5f: {  	_ =	shalt  }
0x60: {  	_ =	shalt  }
0x61: {  	_ =	shalt  }
0x62: {  	_ =	shalt  }
0x63: {  	_ =	shalt  }
0x64: {  	_ =	shalt  }
0x65: {  	_ =	shalt  }
0x66: {  	_ =	shalt  }
0x67: {  	_ =	shalt  }
0x68: {  	_ =	shalt  }
0x69: {  	_ =	shalt  }
0x6a: {  	_ =	shalt  }
0x6b: {  	_ =	shalt  }
0x6c: {  	_ =	shalt  }
0x6d: {  	_ =	shalt  }
0x6e: {  	_ =	shalt  }
0x6f: {  	_ =	shalt  }
0x70: {  	_ =	shalt  }
0x71: {  	_ =	shalt  }
0x72: {  	_ =	shalt  }
0x73: {  	_ =	shalt  }
0x74: {  	_ =	shalt  }
0x75: {  	_ =	shalt  }
0x76: {  	_ =	shalt  }
0x77: {  	_ =	shalt  }
0x78: {  	_ =	shalt  }
0x79: {  	_ =	shalt  }
0x7a: {  	_ =	shalt  }
0x7b: {  	_ =	shalt  }
0x7c: {  	_ =	shalt  }
0x7d: {  	_ =	shalt  }
0x7e: {  	_ =	shalt  }
0x7f: {  	_ =	shalt  }
0x80: {  	_ =	shalt  }
0x81: {  	_ =	shalt  }
0x82: {  	_ =	shalt  }
0x83: {  	_ =	shalt  }
0x84: {  	_ =	shalt  }
0x85: {  	_ =	shalt  }
0x86: {  	_ =	shalt  }
0x87: {  	_ =	shalt  }
.Lfunc_end0:
.L_simem_size_0:
called_computation_lowered:
.L_overlay_start_0:
0x88: {  	s2 =	sld [smem:$0x3FD9]  }
0x89: {  	s3 =	sld [smem:$0x3FFE];
	_ =	sdelay $0x1  }
0x8a: {  	s1 =	srdreg.scid  }
0x8b: {  	s0 =	sand.u32 $0x1, s1  }
0x8c: {  	s16 =	sshll.u32 s0, $0xA;
	s2 =	sadd.s32 s3, s2  }
0x8d: {  	s2 =	sadd.s32 s2, s16  }
0x8e: {  	[smem:$0x3FC7] =	sst s2  }
0x8f: {  	_ = 	snop  }
0x90: {  	(tm) =	ssettm $0x1  }
0x91: {  	s17 =	sld [smem:$0x3FFB];
	_ =	sdelay $0x3  }
0x92: {  	_ =	strace s17  }
0x93: {  	s2 =	sld [smem:$0x3FFC];
	_ =	sdelay $0x3  }
0x94: {  	_ =	strace s2  }
0x95: {  	s2 =	sld [smem:$0x3FFD];
	_ =	sdelay $0x3  }
0x96: {  	_ =	strace s2  }
0x97: {  	_ =	strace $0x8FFFFFFF  }
0x98: {  	s18 =	sld [smem:$0x3FDB];
	_ =	sdelay $0x1  }
0x99: {  	s19 =	simm.s32 $_scs_section_size  }
0x9a: {  	s4 =	simm.s32 $_size__tile_overlayer_lowered;
	s5 =	simm.s32 $_tile_overlayer_lowered  }
0x9b: {  	s22 =	simm.s32 $0x1BFF;
	s21 =	sshll.u32 s5, $0x1;
	s2 =	sadd.s32 s19, s18  }
0x9c: {  	s6 =	simm.s32 $0x0;
	s20 =	sshll.u32 s4, $0x1;
	s4 =	sadd.s32 s21, s2  }
0x9d: {  	[timem:s6], [sflag:s22] =	dma.local [hbm:s4], s20  }
0x9e: {  	_ =	swait.ge [sflag:s22], s20  }
0x9f: {  	s3 =	ssub.s32 $0x0, s20;
	[sflag:s22] =	ssyncset.done $0x0  }
0xa0: {  	[sflag:s22] =	ssyncadd.s32 s3;
	_ =	sdelay $0x1  }
0xa1: {  	s23 =	simm.s32 $0x1B8B  }
0xa2: {  	_ =	swait.ge [sflag:s23], $0x1  }
0xa3: {  	[sflag:s23] =	ssyncset.done $0x0  }
0xa4: {  	s25 =	simm.s32 $0x1B8E;
	s24 =	sld [smem:$0x3FFE];
	[sflag:s23] =	ssyncadd.s32 $0xFFFFFFFF  }
0xa5: {  	s26 =	simm.s32 $execute0_lowered;
	[smem:$0x3FD2] =	sst s25  }
0xa6: {  	s4 =	sshll.u32 s26, $0x1;
	_ =	strace $0x80000046;
	[dreg:$0x1] =	wrdreg $0xFFFFFFFF  }
0xa7: {  	s28 =	simm.s32 $_size_execute0_lowered;
	s2 =	sadd.s32 s2, s4;
	[dreg:$0x0] =	wrdreg $0x0  }
0xa8: {  	s4 =	sshll.u32 s28, $0x1;
	[dreg:$0x2] =	wrdreg s2  }
0xa9: {  	[dreg:$0x3] =	wrdreg s4  }
0xaa: {  	[dreg:$0x4] =	wrdreg $0xC0  }
0xab: {  	_ =	task [dreg:s6], $0x5FFFF  }
0xac: {  	[dreg:$0x1] =	wrdreg $0xFFFFFFFF  }
0xad: {  	[dreg:$0x0] =	wrdreg $0x60  }
0xae: {  	[dreg:$0x2] =	wrdreg s24  }
0xaf: {  	[dreg:$0x3] =	wrdreg $0x9  }
0xb0: {  	_ =	task.clear_ibuf [dreg:s6], $0x4FFFF;
	_ =	strace $0x90000046  }
0xb1: {  	s29 =	simm.s32 $0x9;
	_ =	strace $0x80000048  }
0xb2: {  	_ =	swait.ge [sflag:s29], $0x1  }
0xb3: {  	[sflag:s29] =	ssyncadd.s32 $0xFFFFFFFF  }
0xb4: {  	_ =	strace $0x90000048  }
0xb5: {  	_ =	sfence  }
0xb6: {  	s30 =	sld [smem:$0x0];
	_ =	sdelay $0x2  }
0xb7: {  	s31 =	sshll.u32 s1, $0xD;
	s1 =	sshrl.u32 s1, $0x2  }
0xb8: {  	s3 =	sand.u32 $0x4000, s31;
	s1 =	sadd.s32 s1, s30  }
0xb9: {  	s0 =	sor.u32 s3, s0;
	s1 =	sshll.u32 s1, $0x11  }
0xba: {  	s0 =	sor.u32 s1, s0  }
0xbb: {  	s0 =	sadd.s32 $0x8F2B, s0  }
0xbc: {  	[sflag:s0] =	ssyncadd.remote.s32 $0x1  }
0xbd: {  	_ =	sfence.sel $0xFFFF  }
0xbe: {  	[dreg:$0x0] =	wrdreg $0xFFFFFFFF;
	(pc) =	sbr.abs _section_cstart, $3  }
0xbf: {  	[dreg:$0x1] =	wrdreg $0xFFFFFFFF  }
0xc0: {  	_ =	task.clear_ibuf [dreg:s6], $0x2FFFF;
	_ =	strace $0x9FFFFFFF  }
0xc1: {  	(tm) =	ssettm $0x7FFFFFFF  }
tec
execute0_lowered:
.L_overlay_start_1:
0x0: {  	(tag) =	ssettag $0x1  }
0x1: {  	s0 =	srdreg.scid  }
0x2: {  	s1 =	sand.u32 $0x1, s0  }
0x3: {  	s26 =	stileid.u32;
	s2 =	sshll.u32 s1, $0x4  }
0x4: {  	s20 =	sor.u32 s26, s2  }
0x5: {  	s3 =	smul.u32 $0xC800, s20  }
0x6: {  	s7 =	rddreg [dreg:$0x0];
	s2 =	simm.s32 $0x0;
	s8 =	smul.u32 $0x1900, s20  }
0x7: {  	s25 =	sadd.s32 $0x400, s7;
	[smem:$0x7FF] =	sst s2;
	s26 =	sshrl.u32 s3, $0x3  }
0x8: {  	_ =	strace $0x80000047;
	s3 =	sadd.s32 s25, s8;
	s11 =	sadd.s32 $0x32000, s26  }
0x9: {  	[tilespmem:s2], [sflag:$0x1] =	stream.linear.gather [hbm4b:s3+s2], $0xC800, $0x38;
	[tilespmem:$0x19000] =	vst v63  }
0xa: {  	s5 =	simm.s32 $0xC800;
	s6 =	simm.s32 $0x1;
	s4 =	sadd.s32 s25, s11  }
0xb: {  	[tilespmem:s5], [sflag:$0x2] =	stream.linear.gather [hbm4b:s4+s2], $0xC800, $0x38;
	[tilespmem:$0x19000] =	vst v63  }
0xc: {  	_ =	swait.ge [sflag:s6], $0xC800  }
0xd: {  	s31 =	sadd.s32 $0x186E00, s7;
	[sflag:s6] =	ssyncset.done $0x0  }
0xe: {  	s7 =	sadd.s32 s31, s8;
	s8 =	simm.s32 $0x3;
	[sflag:s6] =	ssyncadd.s32 $0xFFFF3800  }
0xf: {  	[hbm4b:s7+s2] =	stream.linear.scatter [tilespmem:s2], [sflag:$0x3], $0xC800, $0x38;
	[tilespmem:$0x19000] =	vst v63  }
0x10: {  	_ =	swait.ge [sflag:s8], $0xC800  }
0x11: {  	s14 =	sadd.s32 $0x64000, s26;
	[sflag:s8] =	ssyncset.done $0x0  }
0x12: {  	s10 =	simm.s32 $0x2;
	s9 =	sadd.s32 s25, s14;
	[sflag:s8] =	ssyncadd.s32 $0xFFFF3800  }
0x13: {  	[tilespmem:s2], [sflag:$0x1] =	stream.linear.gather [hbm4b:s9+s2], $0xC800, $0x38;
	[tilespmem:$0x19000] =	vst v63  }
0x14: {  	_ =	swait.ge [sflag:s10], $0xC800  }
0x15: {  	[sflag:s10] =	ssyncset.done $0x0  }
0x16: {  	s12 =	sadd.s32 s31, s11;
	s11 =	simm.s32 $0x4;
	[sflag:s10] =	ssyncadd.s32 $0xFFFF3800  }
0x17: {  	[hbm4b:s12+s2] =	stream.linear.scatter [tilespmem:s5], [sflag:$0x4], $0xC800, $0x38;
	[tilespmem:$0x19000] =	vst v63  }
0x18: {  	_ =	swait.ge [sflag:s11], $0xC800  }
0x19: {  	s16 =	sadd.s32 $0x96000, s26;
	[sflag:s11] =	ssyncset.done $0x0  }
0x1a: {  	s13 =	sadd.s32 s25, s16;
	[sflag:s11] =	ssyncadd.s32 $0xFFFF3800  }
0x1b: {  	[tilespmem:s5], [sflag:$0x2] =	stream.linear.gather [hbm4b:s13+s2], $0xC800, $0x38;
	[tilespmem:$0x19000] =	vst v63  }
0x1c: {  	_ =	swait.ge [sflag:s6], $0xC800  }
0x1d: {  	[sflag:s6] =	ssyncset.done $0x0  }
0x1e: {  	s14 =	sadd.s32 s31, s14;
	[sflag:s6] =	ssyncadd.s32 $0xFFFF3800  }
0x1f: {  	[hbm4b:s14+s2] =	stream.linear.scatter [tilespmem:s2], [sflag:$0x3], $0xC800, $0x38;
	[tilespmem:$0x19000] =	vst v63  }
0x20: {  	_ =	swait.ge [sflag:s8], $0xC800  }
0x21: {  	s18 =	sadd.s32 $0xC8000, s26;
	[sflag:s8] =	ssyncset.done $0x0  }
0x22: {  	s15 =	sadd.s32 s25, s18;
	[sflag:s8] =	ssyncadd.s32 $0xFFFF3800  }
0x23: {  	[tilespmem:s2], [sflag:$0x1] =	stream.linear.gather [hbm4b:s15+s2], $0xC800, $0x38;
	[tilespmem:$0x19000] =	vst v63  }
0x24: {  	_ =	swait.ge [sflag:s10], $0xC800  }
0x25: {  	[sflag:s10] =	ssyncset.done $0x0  }
0x26: {  	s16 =	sadd.s32 s31, s16;
	[sflag:s10] =	ssyncadd.s32 $0xFFFF3800  }
0x27: {  	[hbm4b:s16+s2] =	stream.linear.scatter [tilespmem:s5], [sflag:$0x4], $0xC800, $0x38;
	[tilespmem:$0x19000] =	vst v63  }
0x28: {  	_ =	swait.ge [sflag:s11], $0xC800  }
0x29: {  	s21 =	sadd.s32 $0xFA000, s26;
	[sflag:s11] =	ssyncset.done $0x0  }
0x2a: {  	s17 =	sadd.s32 s25, s21;
	[sflag:s11] =	ssyncadd.s32 $0xFFFF3800  }
0x2b: {  	[tilespmem:s5], [sflag:$0x2] =	stream.linear.gather [hbm4b:s17+s2], $0xC800, $0x38;
	[tilespmem:$0x19000] =	vst v63  }
0x2c: {  	_ =	swait.ge [sflag:s6], $0xC800  }
0x2d: {  	[sflag:s6] =	ssyncset.done $0x0  }
0x2e: {  	s18 =	sadd.s32 s31, s18;
	[sflag:s6] =	ssyncadd.s32 $0xFFFF3800  }
0x2f: {  	[hbm4b:s18+s2] =	stream.linear.scatter [tilespmem:s2], [sflag:$0x3], $0xC800, $0x38;
	[tilespmem:$0x19000] =	vst v63  }
0x30: {  	_ =	swait.ge [sflag:s8], $0xC800  }
0x31: {  	s22 =	sadd.s32 $0x12C000, s26;
	[sflag:s8] =	ssyncset.done $0x0  }
0x32: {  	s19 =	sadd.s32 s25, s22;
	[sflag:s8] =	ssyncadd.s32 $0xFFFF3800  }
0x33: {  	[tilespmem:s2], [sflag:$0x1] =	stream.linear.gather [hbm4b:s19+s2], $0xC800, $0x38;
	[tilespmem:$0x19000] =	vst v63  }
0x34: {  	_ =	swait.ge [sflag:s10], $0xC800  }
0x35: {  	p0 =	sgt.u32 s20, $0x19;
	[sflag:s10] =	ssyncset.done $0x0  }
0x36: {  	s20 =	sadd.s32 s31, s21;
	s21 =	simm.s32 @p0 $0x1;
	[sflag:s10] =	ssyncadd.s32 $0xFFFF3800  }
0x37: {  	[hbm4b:s20+s2] =	stream.linear.scatter [tilespmem:s5], [sflag:$0x4], $0xC800, $0x38;
	[tilespmem:$0x19000] =	vst v63  }
0x38: {  	_ =	swait.ge @p0 [sflag:s21], $0xC800  }
0x39: {  	s23 =	simm.s32 @p0 $0x0;
	[sflag:s21] =	ssyncset.done @p0 $0x0  }
0x3a: {  	s24 =	simm.s32 @!p0 $0x4;
	s22 =	sadd.s32 s31, s22;
	[sflag:s21] =	ssyncadd.s32 @p0 $0xFFFF3800  }
0x3b: {  	[hbm4b:s22+s23] =	stream.linear.scatter @p0 [tilespmem:s23], [sflag:$0x3], $0xC800, $0x38;
	[tilespmem:$0x19000] =	vst v63  }
0x3c: {  	s28 =	simm.s32 @!p0 $0xC800;
	_ =	swait.ge @!p0 [sflag:s24], $0xC800  }
0x3d: {  	s29 =	simm.s32 @!p0 $0x1;
	s0 =	sadd.s32 $0x15E000, s26;
	[sflag:s24] =	ssyncset.done @!p0 $0x0  }
0x3e: {  	s26 =	simm.s32 @!p0 $0x0;
	s25 =	sadd.s32 s25, s0;
	[sflag:s24] =	ssyncadd.s32 @!p0 $0xFFFF3800  }
0x3f: {  	[tilespmem:s28], [sflag:$0x2] =	stream.linear.gather @!p0 [hbm4b:s25+s26], $0xC800, $0x38;
	[tilespmem:$0x19000] =	vst v63  }
0x40: {  	s31 =	sadd.s32 s31, s0;
	s0 =	ssub.s32 $0x2, s1;
	_ =	swait.ge @!p0 [sflag:s29], $0xC800  }
0x41: {  	s1 =	sshrl.u32 s0, $0x1;
	[sflag:s29] =	ssyncset.done @!p0 $0x0  }
0x42: {  	s30 =	simm.s32 @!p0 $0x2;
	s0 =	ssub.s32 s0, s1;
	[sflag:s29] =	ssyncadd.s32 @!p0 $0xFFFF3800  }
0x43: {  	[hbm4b:s22+s26] =	stream.linear.scatter @!p0 [tilespmem:s26], [sflag:$0x3], $0xC800, $0x38;
	[tilespmem:$0x19000] =	vst v63  }
0x44: {  	s0 =	smax.u32 s0, $0x1;
	_ =	swait.ge @!p0 [sflag:s30], $0xC800  }
0x45: {  	s1 =	sadd.s32 $0xFFFFFFFF, s0;
	[sflag:s30] =	ssyncset.done @!p0 $0x0  }
0x46: {  	p1 =	sne.s32 s1, $0x0;
	[sflag:s30] =	ssyncadd.s32 @!p0 $0xFFFF3800  }
0x47: {  	[hbm4b:s31+s26] =	stream.linear.scatter @!p0 [tilespmem:s28], [sflag:$0x4], $0xC800, $0x38;
	[tilespmem:$0x19000] =	vst v63  }
.Ltmp0:
0x48: {  	_ =	swait.ge [sflag:s8], $0xC800;
	(pc) =	sbr.rel @!p1 .LBB2_2-.Ltmp0, $4  }
0x49: {  	[sflag:s8] =	ssyncset.done $0x0  }
0x4a: {  	[sflag:s8] =	ssyncadd.s32 $0xFFFF3800  }
0x4b: {  	_ =	swait.ge [sflag:s11], $0xC800  }
0x4c: {  	[sflag:s11] =	ssyncset.done $0x0  }
.LBB2_1:
0x4d: {  	s1 =	sadd.s32 $0xFFFFFFFF, s1;
	[sflag:s11] =	ssyncadd.s32 $0xFFFF3800  }
0x4e: {  	[tilespmem:s2], [sflag:$0x1] =	stream.linear.gather [hbm4b:s3+s2], $0xC800, $0x38;
	[tilespmem:$0x19000] =	vst v63  }
0x4f: {  	p1 =	sne.s32 s1, $0x0  }
0x50: {  	[tilespmem:s5], [sflag:$0x2] =	stream.linear.gather [hbm4b:s4+s2], $0xC800, $0x38;
	[tilespmem:$0x19000] =	vst v63  }
0x51: {  	_ =	swait.ge [sflag:s6], $0xC800  }
0x52: {  	[sflag:s6] =	ssyncset.done $0x0  }
0x53: {  	[sflag:s6] =	ssyncadd.s32 $0xFFFF3800  }
0x54: {  	[hbm4b:s7+s2] =	stream.linear.scatter [tilespmem:s2], [sflag:$0x3], $0xC800, $0x38;
	[tilespmem:$0x19000] =	vst v63  }
0x55: {  	_ =	swait.ge [sflag:s8], $0xC800  }
0x56: {  	[sflag:s8] =	ssyncset.done $0x0  }
0x57: {  	[sflag:s8] =	ssyncadd.s32 $0xFFFF3800  }
0x58: {  	[tilespmem:s2], [sflag:$0x1] =	stream.linear.gather [hbm4b:s9+s2], $0xC800, $0x38;
	[tilespmem:$0x19000] =	vst v63  }
0x59: {  	_ =	swait.ge [sflag:s10], $0xC800  }
0x5a: {  	[sflag:s10] =	ssyncset.done $0x0  }
0x5b: {  	[sflag:s10] =	ssyncadd.s32 $0xFFFF3800  }
0x5c: {  	[hbm4b:s12+s2] =	stream.linear.scatter [tilespmem:s5], [sflag:$0x4], $0xC800, $0x38;
	[tilespmem:$0x19000] =	vst v63  }
0x5d: {  	_ =	swait.ge [sflag:s11], $0xC800  }
0x5e: {  	[sflag:s11] =	ssyncset.done $0x0  }
0x5f: {  	[sflag:s11] =	ssyncadd.s32 $0xFFFF3800  }
0x60: {  	[tilespmem:s5], [sflag:$0x2] =	stream.linear.gather [hbm4b:s13+s2], $0xC800, $0x38;
	[tilespmem:$0x19000] =	vst v63  }
0x61: {  	_ =	swait.ge [sflag:s6], $0xC800  }
0x62: {  	[sflag:s6] =	ssyncset.done $0x0  }
0x63: {  	[sflag:s6] =	ssyncadd.s32 $0xFFFF3800  }
0x64: {  	[hbm4b:s14+s2] =	stream.linear.scatter [tilespmem:s2], [sflag:$0x3], $0xC800, $0x38;
	[tilespmem:$0x19000] =	vst v63  }
0x65: {  	_ =	swait.ge [sflag:s8], $0xC800  }
0x66: {  	[sflag:s8] =	ssyncset.done $0x0  }
0x67: {  	[sflag:s8] =	ssyncadd.s32 $0xFFFF3800  }
0x68: {  	[tilespmem:s2], [sflag:$0x1] =	stream.linear.gather [hbm4b:s15+s2], $0xC800, $0x38;
	[tilespmem:$0x19000] =	vst v63  }
0x69: {  	_ =	swait.ge [sflag:s10], $0xC800  }
0x6a: {  	[sflag:s10] =	ssyncset.done $0x0  }
0x6b: {  	[sflag:s10] =	ssyncadd.s32 $0xFFFF3800  }
0x6c: {  	[hbm4b:s16+s2] =	stream.linear.scatter [tilespmem:s5], [sflag:$0x4], $0xC800, $0x38;
	[tilespmem:$0x19000] =	vst v63  }
0x6d: {  	_ =	swait.ge [sflag:s11], $0xC800  }
0x6e: {  	[sflag:s11] =	ssyncset.done $0x0  }
0x6f: {  	[sflag:s11] =	ssyncadd.s32 $0xFFFF3800  }
0x70: {  	[tilespmem:s5], [sflag:$0x2] =	stream.linear.gather [hbm4b:s17+s2], $0xC800, $0x38;
	[tilespmem:$0x19000] =	vst v63  }
0x71: {  	_ =	swait.ge [sflag:s6], $0xC800  }
0x72: {  	[sflag:s6] =	ssyncset.done $0x0  }
0x73: {  	[sflag:s6] =	ssyncadd.s32 $0xFFFF3800  }
0x74: {  	[hbm4b:s18+s2] =	stream.linear.scatter [tilespmem:s2], [sflag:$0x3], $0xC800, $0x38;
	[tilespmem:$0x19000] =	vst v63  }
0x75: {  	_ =	swait.ge [sflag:s8], $0xC800  }
0x76: {  	[sflag:s8] =	ssyncset.done $0x0  }
0x77: {  	[sflag:s8] =	ssyncadd.s32 $0xFFFF3800  }
0x78: {  	[tilespmem:s2], [sflag:$0x1] =	stream.linear.gather [hbm4b:s19+s2], $0xC800, $0x38;
	[tilespmem:$0x19000] =	vst v63  }
0x79: {  	_ =	swait.ge [sflag:s10], $0xC800  }
0x7a: {  	[sflag:s10] =	ssyncset.done $0x0  }
0x7b: {  	[sflag:s10] =	ssyncadd.s32 $0xFFFF3800  }
0x7c: {  	[hbm4b:s20+s2] =	stream.linear.scatter [tilespmem:s5], [sflag:$0x4], $0xC800, $0x38;
	[tilespmem:$0x19000] =	vst v63  }
0x7d: {  	_ =	swait.ge @p0 [sflag:s21], $0xC800  }
0x7e: {  	[sflag:s21] =	ssyncset.done @p0 $0x0  }
0x7f: {  	[sflag:s21] =	ssyncadd.s32 @p0 $0xFFFF3800  }
0x80: {  	[hbm4b:s22+s23] =	stream.linear.scatter @p0 [tilespmem:s23], [sflag:$0x3], $0xC800, $0x38;
	[tilespmem:$0x19000] =	vst v63  }
0x81: {  	_ =	swait.ge @!p0 [sflag:s24], $0xC800  }
0x82: {  	[sflag:s24] =	ssyncset.done @!p0 $0x0  }
0x83: {  	[sflag:s24] =	ssyncadd.s32 @!p0 $0xFFFF3800  }
0x84: {  	[tilespmem:s28], [sflag:$0x2] =	stream.linear.gather @!p0 [hbm4b:s25+s26], $0xC800, $0x38;
	[tilespmem:$0x19000] =	vst v63  }
0x85: {  	_ =	swait.ge @!p0 [sflag:s29], $0xC800  }
0x86: {  	[sflag:s29] =	ssyncset.done @!p0 $0x0  }
0x87: {  	[sflag:s29] =	ssyncadd.s32 @!p0 $0xFFFF3800  }
0x88: {  	[hbm4b:s22+s26] =	stream.linear.scatter @!p0 [tilespmem:s26], [sflag:$0x3], $0xC800, $0x38;
	[tilespmem:$0x19000] =	vst v63  }
0x89: {  	_ =	swait.ge @!p0 [sflag:s30], $0xC800  }
0x8a: {  	[sflag:s30] =	ssyncset.done @!p0 $0x0  }
0x8b: {  	[sflag:s30] =	ssyncadd.s32 @!p0 $0xFFFF3800  }
0x8c: {  	[hbm4b:s31+s26] =	stream.linear.scatter @!p0 [tilespmem:s28], [sflag:$0x4], $0xC800, $0x38;
	[tilespmem:$0x19000] =	vst v63  }
.Ltmp1:
0x8d: {  	_ =	swait.ge [sflag:s8], $0xC800;
	(pc) =	sbr.rel @p1 .LBB2_1-.Ltmp1, $4  }
0x8e: {  	[sflag:s8] =	ssyncset.done $0x0  }
0x8f: {  	[sflag:s8] =	ssyncadd.s32 $0xFFFF3800  }
0x90: {  	_ =	swait.ge [sflag:s11], $0xC800  }
0x91: {  	[sflag:s11] =	ssyncset.done $0x0  }
.LBB2_2:
0x92: {  	[sflag:s11] =	ssyncadd.s32 $0xFFFF3800  }
0x93: {  	_ =	sfence.sel $0x180000  }
0x94: {  	[bflag:$0x0] =	sbarrier.arrive $0xFFFF  }
0x95: {  	_ =	strace $0x90000047  }
0x96: {  	s0 =	stileid.u32;
	[bflag:$0x2] =	sbarrier.arrive $0xFFFF  }
0x97: {  	p0 =	sne.s32 s0, $0x0;
	s0 =	rddreg [dreg:$0x1]  }
0x98: {  	s0 =	sadd.s32 @!p0 $0x100000, s0  }
0x99: {  	[sflag:s0] =	ssyncadd.tile.s32 @!p0 $0x1;
	_ =	shalt  }
.Lfunc_end2:
_tile_overlayer_lowered:
.L_overlay_start_2:
0x9a: {  	(tag) =	ssettag $0x2  }
0x9b: {  	s0 =	rddreg [dreg:$0x0];
	s2 =	stileid.u32  }
0x9c: {  	s1 =	rddreg [dreg:$0x1];
	p0 =	sne.s32 s2, $0x0  }
0x9d: {  	s3 =	rddreg [dreg:$0x2];
	[bflag:$0x3] =	sbarrier.arrive $0xFFFF;
	s2 =	simm.s32 @!p0 $0x1C05  }
0x9e: {  	[timem:s3], [sflag:s2] =	dma.local @!p0 [hbm:s0], s1  }
0x9f: {  	s0 =	simm.s32 @!p0 $0x5  }
0xa0: {  	_ =	swait.ge @!p0 [sflag:s0], s1  }
0xa1: {  	s1 =	ssub.s32 @!p0 $0x0, s1;
	[sflag:s0] =	ssyncset.done @!p0 $0x0  }
0xa2: {  	[sflag:s0] =	ssyncadd.s32 @!p0 s1  }
0xa3: {  	[bflag:$0x3] =	sbarrier.arrive $0xFFFF  }
0xa4: {  	_ =	shalt  }

</sc_bundles>
